<compile_context>
chip_gen: v7x
topology: tpu7x:2x2x1
jax: 0.10.2.dev20260603
libtpu: 0.0.44.dev20260713+nightly
codegen_flags: <defaults>
</compile_context>

<pallas_src>
import functools

import jax
import jax.numpy as jnp
from jax import lax
from jax.experimental import pallas as pl
from jax.experimental.pallas import tpu as pltpu
from jax.experimental.pallas import tpu_sc as plsc

_N = 64
_NT = 8
_PPT = _N // _NT

_mesh = plsc.VectorSubcoreMesh(
    core_axis_name="c", subcore_axis_name="s", num_cores=1, num_subcores=_NT
)


@functools.partial(
    pl.kernel,
    out_type=jax.ShapeDtypeStruct((_N,), jnp.float32),
    mesh=_mesh,
    scratch_types=[
        pltpu.VMEM((_PPT * 8,), jnp.float32),
        pltpu.VMEM((16,), jnp.float32),
        pltpu.SemaphoreType.DMA,
    ],
)
def _probe_gather(x_hbm, out_hbm, rows_v, out_v, sem):
    wid = lax.axis_index("s")

    @pl.when(wid < _NT)
    def _():
        copies = []
        for j in range(_PPT):
            y = 16 * _PPT * wid + 16 * j + 8
            c = 32 * _PPT * wid + 32 * j
            copies.append(
                pltpu.async_copy(
                    x_hbm.at[j, y, pl.ds(c, 8)], rows_v.at[pl.ds(8 * j, 8)], sem
                )
            )
        for cp in copies:
            cp.wait()
        lane = lax.iota(jnp.int32, 16)
        vals = jnp.zeros((16,), jnp.float32)
        for j in range(_PPT):
            v = rows_v[pl.ds(16 * (j // 2), 16)]
            vals = jnp.where(lane == j, v[8 * (j % 2)], vals)
        out_v[...] = vals
        pltpu.sync_copy(
            out_v.at[pl.ds(0, _PPT)], out_hbm.at[pl.ds(_PPT * wid, _PPT)]
        )


def kernel(x):
    return _probe_gather(x)

# --- scband reference (transcript-rebuilt; emitter-appended) ---
"""Pipeline reference for scband-wave-probe-58652073394509 (READ-ONLY COPY).

The authoritative reference and input builder live on the scoring server;
editing this copy changes nothing except your own understanding.
"""

import jax, jax.numpy as jnp
import numpy as np

# Constant probe buffers (registered in __init__ of WaveProbe)
BIDX = jnp.array([i % 8 for i in range(64)], dtype=jnp.int64)
XC = jnp.array([32 * i for i in range(64)], dtype=jnp.int64)
YC = jnp.array([16 * i + 8 for i in range(64)], dtype=jnp.int64)


def setup_inputs(seed: int = 0) -> dict:
    key = jax.random.key(seed)
    x = jax.random.normal(key, (8, 2048, 2048), dtype=jnp.float32)
    return {"x": x}


def reference(x):
    # WaveProbe.forward2d: x[self.bidx, self.y, self.x]
    # ndim == 2 because kwargs were {x: ..., y: ...}
    return x[BIDX, YC, XC]

if __name__ == "__main__":
    import jax
    _d = setup_inputs()
    print(jax.jit(kernel)(*tuple(_d.values())))

</pallas_src>

<mosaic_0001>
#map = affine_map<(d0, d1) -> (0, 0, 0)>
#map1 = affine_map<(d0, d1) -> (0)>
module attributes {stable_mosaic.version = 14 : i64} {
  func.func @_probe_gather(%arg0: i32, %arg1: i32, %arg2: memref<8x2048x2048xf32, #tpu.memory_space<hbm>>, %arg3: memref<64xf32, #tpu.memory_space<hbm>>, %arg4: memref<64xf32, #tpu.memory_space<vmem>>, %arg5: memref<16xf32, #tpu.memory_space<vmem>>, %arg6: memref<!tpu.dma_semaphore, #tpu.memory_space<semaphore_mem>>) attributes {dimension_semantics = [#tpu.dimension_semantics<core_parallel>, #tpu.dimension_semantics<subcore_parallel>], iteration_bounds = array<i64: 1, 8>, scalar_prefetch = 0 : i64, scratch_operands = 3 : i64, tpu.core_type = #tpu.core_type<sc_vector_subcore>, window_params = [{transform_indices = #map}, {transform_indices = #map1}]} {
    %lt3A = arith.constant 8 : i32
    %lt3A_0 = arith.cmpi slt, %arg1, %lt3A : i32
    %convert_element_type3A = arith.extui %lt3A_0 : i1 to i32
    %cond3A = arith.constant 0 : i32
    %cond3A_1 = arith.cmpi ne, %convert_element_type3A, %cond3A : i32
    scf.if %cond3A_1 {
      %mul3A = arith.constant 128 : i32
      %mul3A_2 = arith.muli %mul3A, %arg1 : i32
      %add3A = arith.constant 0 : i32
      %add3A_3 = arith.addi %mul3A_2, %add3A : i32
      %add3A_4 = arith.constant 8 : i32
      %add3A_5 = arith.addi %add3A_3, %add3A_4 : i32
      %mul3A_6 = arith.constant 256 : i32
      %mul3A_7 = arith.muli %mul3A_6, %arg1 : i32
      %add3A_8 = arith.constant 0 : i32
      %add3A_9 = arith.addi %mul3A_7, %add3A_8 : i32
      %dma_start3A = arith.constant 0 : i32
      %dma_start3A_10 = arith.constant 0 : i32
      %dma_start3A_11 = tpu.memref_slice %arg4[%dma_start3A_10] : memref<64xf32, #tpu.memory_space<vmem>> -> memref<8xf32, #tpu.memory_space<vmem>>
      %dma_start3A_12 = tpu.memref_slice %arg2[%dma_start3A, %add3A_5, %add3A_9] : memref<8x2048x2048xf32, #tpu.memory_space<hbm>> -> memref<1x1x8xf32, #tpu.memory_space<hbm>>
      %dma_start3A_13 = tpu.memref_squeeze %dma_start3A_12 : memref<1x1x8xf32, #tpu.memory_space<hbm>> -> memref<8xf32, #tpu.memory_space<hbm>>
      %dma_start3A_14 = arith.constant 0 : i32
      %dma_start3A_15 = tpu.memref_slice %arg4[%dma_start3A_14] : memref<64xf32, #tpu.memory_space<vmem>> -> memref<8xf32, #tpu.memory_space<vmem>>
      %dma_start3A_16 = tpu.memref_slice %arg2[%dma_start3A, %add3A_5, %add3A_9] : memref<8x2048x2048xf32, #tpu.memory_space<hbm>> -> memref<1x1x8xf32, #tpu.memory_space<hbm>>
      %dma_start3A_17 = tpu.memref_squeeze %dma_start3A_16 : memref<1x1x8xf32, #tpu.memory_space<hbm>> -> memref<8xf32, #tpu.memory_space<hbm>>
      tpu.enqueue_dma source(%dma_start3A_17 : memref<8xf32, #tpu.memory_space<hbm>>) target(%dma_start3A_15 : memref<8xf32, #tpu.memory_space<vmem>>) target_semaphore(%arg6 : memref<!tpu.dma_semaphore, #tpu.memory_space<semaphore_mem>>)
      %mul3A_18 = arith.constant 128 : i32
      %mul3A_19 = arith.muli %mul3A_18, %arg1 : i32
      %add3A_20 = arith.constant 16 : i32
      %add3A_21 = arith.addi %mul3A_19, %add3A_20 : i32
      %add3A_22 = arith.constant 8 : i32
      %add3A_23 = arith.addi %add3A_21, %add3A_22 : i32
      %mul3A_24 = arith.constant 256 : i32
      %mul3A_25 = arith.muli %mul3A_24, %arg1 : i32
      %add3A_26 = arith.constant 32 : i32
      %add3A_27 = arith.addi %mul3A_25, %add3A_26 : i32
      %dma_start3A_28 = arith.constant 1 : i32
      %dma_start3A_29 = arith.constant 8 : i32
      %dma_start3A_30 = tpu.memref_slice %arg4[%dma_start3A_29] : memref<64xf32, #tpu.memory_space<vmem>> -> memref<8xf32, #tpu.memory_space<vmem>>
      %dma_start3A_31 = tpu.memref_slice %arg2[%dma_start3A_28, %add3A_23, %add3A_27] : memref<8x2048x2048xf32, #tpu.memory_space<hbm>> -> memref<1x1x8xf32, #tpu.memory_space<hbm>>
      %dma_start3A_32 = tpu.memref_squeeze %dma_start3A_31 : memref<1x1x8xf32, #tpu.memory_space<hbm>> -> memref<8xf32, #tpu.memory_space<hbm>>
      %dma_start3A_33 = arith.constant 8 : i32
      %dma_start3A_34 = tpu.memref_slice %arg4[%dma_start3A_33] : memref<64xf32, #tpu.memory_space<vmem>> -> memref<8xf32, #tpu.memory_space<vmem>>
      %dma_start3A_35 = tpu.memref_slice %arg2[%dma_start3A_28, %add3A_23, %add3A_27] : memref<8x2048x2048xf32, #tpu.memory_space<hbm>> -> memref<1x1x8xf32, #tpu.memory_space<hbm>>
      %dma_start3A_36 = tpu.memref_squeeze %dma_start3A_35 : memref<1x1x8xf32, #tpu.memory_space<hbm>> -> memref<8xf32, #tpu.memory_space<hbm>>
      tpu.enqueue_dma source(%dma_start3A_36 : memref<8xf32, #tpu.memory_space<hbm>>) target(%dma_start3A_34 : memref<8xf32, #tpu.memory_space<vmem>>) target_semaphore(%arg6 : memref<!tpu.dma_semaphore, #tpu.memory_space<semaphore_mem>>)
      %mul3A_37 = arith.constant 128 : i32
      %mul3A_38 = arith.muli %mul3A_37, %arg1 : i32
      %add3A_39 = arith.constant 32 : i32
      %add3A_40 = arith.addi %mul3A_38, %add3A_39 : i32
      %add3A_41 = arith.constant 8 : i32
      %add3A_42 = arith.addi %add3A_40, %add3A_41 : i32
      %mul3A_43 = arith.constant 256 : i32
      %mul3A_44 = arith.muli %mul3A_43, %arg1 : i32
      %add3A_45 = arith.constant 64 : i32
      %add3A_46 = arith.addi %mul3A_44, %add3A_45 : i32
      %dma_start3A_47 = arith.constant 2 : i32
      %dma_start3A_48 = arith.constant 16 : i32
      %dma_start3A_49 = tpu.memref_slice %arg4[%dma_start3A_48] : memref<64xf32, #tpu.memory_space<vmem>> -> memref<8xf32, #tpu.memory_space<vmem>>
      %dma_start3A_50 = tpu.memref_slice %arg2[%dma_start3A_47, %add3A_42, %add3A_46] : memref<8x2048x2048xf32, #tpu.memory_space<hbm>> -> memref<1x1x8xf32, #tpu.memory_space<hbm>>
      %dma_start3A_51 = tpu.memref_squeeze %dma_start3A_50 : memref<1x1x8xf32, #tpu.memory_space<hbm>> -> memref<8xf32, #tpu.memory_space<hbm>>
      %dma_start3A_52 = arith.constant 16 : i32
      %dma_start3A_53 = tpu.memref_slice %arg4[%dma_start3A_52] : memref<64xf32, #tpu.memory_space<vmem>> -> memref<8xf32, #tpu.memory_space<vmem>>
      %dma_start3A_54 = tpu.memref_slice %arg2[%dma_start3A_47, %add3A_42, %add3A_46] : memref<8x2048x2048xf32, #tpu.memory_space<hbm>> -> memref<1x1x8xf32, #tpu.memory_space<hbm>>
      %dma_start3A_55 = tpu.memref_squeeze %dma_start3A_54 : memref<1x1x8xf32, #tpu.memory_space<hbm>> -> memref<8xf32, #tpu.memory_space<hbm>>
      tpu.enqueue_dma source(%dma_start3A_55 : memref<8xf32, #tpu.memory_space<hbm>>) target(%dma_start3A_53 : memref<8xf32, #tpu.memory_space<vmem>>) target_semaphore(%arg6 : memref<!tpu.dma_semaphore, #tpu.memory_space<semaphore_mem>>)
      %mul3A_56 = arith.constant 128 : i32
      %mul3A_57 = arith.muli %mul3A_56, %arg1 : i32
      %add3A_58 = arith.constant 48 : i32
      %add3A_59 = arith.addi %mul3A_57, %add3A_58 : i32
      %add3A_60 = arith.constant 8 : i32
      %add3A_61 = arith.addi %add3A_59, %add3A_60 : i32
      %mul3A_62 = arith.constant 256 : i32
      %mul3A_63 = arith.muli %mul3A_62, %arg1 : i32
      %add3A_64 = arith.constant 96 : i32
      %add3A_65 = arith.addi %mul3A_63, %add3A_64 : i32
      %dma_start3A_66 = arith.constant 3 : i32
      %dma_start3A_67 = arith.constant 24 : i32
      %dma_start3A_68 = tpu.memref_slice %arg4[%dma_start3A_67] : memref<64xf32, #tpu.memory_space<vmem>> -> memref<8xf32, #tpu.memory_space<vmem>>
      %dma_start3A_69 = tpu.memref_slice %arg2[%dma_start3A_66, %add3A_61, %add3A_65] : memref<8x2048x2048xf32, #tpu.memory_space<hbm>> -> memref<1x1x8xf32, #tpu.memory_space<hbm>>
      %dma_start3A_70 = tpu.memref_squeeze %dma_start3A_69 : memref<1x1x8xf32, #tpu.memory_space<hbm>> -> memref<8xf32, #tpu.memory_space<hbm>>
      %dma_start3A_71 = arith.constant 24 : i32
      %dma_start3A_72 = tpu.memref_slice %arg4[%dma_start3A_71] : memref<64xf32, #tpu.memory_space<vmem>> -> memref<8xf32, #tpu.memory_space<vmem>>
      %dma_start3A_73 = tpu.memref_slice %arg2[%dma_start3A_66, %add3A_61, %add3A_65] : memref<8x2048x2048xf32, #tpu.memory_space<hbm>> -> memref<1x1x8xf32, #tpu.memory_space<hbm>>
      %dma_start3A_74 = tpu.memref_squeeze %dma_start3A_73 : memref<1x1x8xf32, #tpu.memory_space<hbm>> -> memref<8xf32, #tpu.memory_space<hbm>>
      tpu.enqueue_dma source(%dma_start3A_74 : memref<8xf32, #tpu.memory_space<hbm>>) target(%dma_start3A_72 : memref<8xf32, #tpu.memory_space<vmem>>) target_semaphore(%arg6 : memref<!tpu.dma_semaphore, #tpu.memory_space<semaphore_mem>>)
      %mul3A_75 = arith.constant 128 : i32
      %mul3A_76 = arith.muli %mul3A_75, %arg1 : i32
      %add3A_77 = arith.constant 64 : i32
      %add3A_78 = arith.addi %mul3A_76, %add3A_77 : i32
      %add3A_79 = arith.constant 8 : i32
      %add3A_80 = arith.addi %add3A_78, %add3A_79 : i32
      %mul3A_81 = arith.constant 256 : i32
      %mul3A_82 = arith.muli %mul3A_81, %arg1 : i32
      %add3A_83 = arith.constant 128 : i32
      %add3A_84 = arith.addi %mul3A_82, %add3A_83 : i32
      %dma_start3A_85 = arith.constant 4 : i32
      %dma_start3A_86 = arith.constant 32 : i32
      %dma_start3A_87 = tpu.memref_slice %arg4[%dma_start3A_86] : memref<64xf32, #tpu.memory_space<vmem>> -> memref<8xf32, #tpu.memory_space<vmem>>
      %dma_start3A_88 = tpu.memref_slice %arg2[%dma_start3A_85, %add3A_80, %add3A_84] : memref<8x2048x2048xf32, #tpu.memory_space<hbm>> -> memref<1x1x8xf32, #tpu.memory_space<hbm>>
      %dma_start3A_89 = tpu.memref_squeeze %dma_start3A_88 : memref<1x1x8xf32, #tpu.memory_space<hbm>> -> memref<8xf32, #tpu.memory_space<hbm>>
      %dma_start3A_90 = arith.constant 32 : i32
      %dma_start3A_91 = tpu.memref_slice %arg4[%dma_start3A_90] : memref<64xf32, #tpu.memory_space<vmem>> -> memref<8xf32, #tpu.memory_space<vmem>>
      %dma_start3A_92 = tpu.memref_slice %arg2[%dma_start3A_85, %add3A_80, %add3A_84] : memref<8x2048x2048xf32, #tpu.memory_space<hbm>> -> memref<1x1x8xf32, #tpu.memory_space<hbm>>
      %dma_start3A_93 = tpu.memref_squeeze %dma_start3A_92 : memref<1x1x8xf32, #tpu.memory_space<hbm>> -> memref<8xf32, #tpu.memory_space<hbm>>
      tpu.enqueue_dma source(%dma_start3A_93 : memref<8xf32, #tpu.memory_space<hbm>>) target(%dma_start3A_91 : memref<8xf32, #tpu.memory_space<vmem>>) target_semaphore(%arg6 : memref<!tpu.dma_semaphore, #tpu.memory_space<semaphore_mem>>)
      %mul3A_94 = arith.constant 128 : i32
      %mul3A_95 = arith.muli %mul3A_94, %arg1 : i32
      %add3A_96 = arith.constant 80 : i32
      %add3A_97 = arith.addi %mul3A_95, %add3A_96 : i32
      %add3A_98 = arith.constant 8 : i32
      %add3A_99 = arith.addi %add3A_97, %add3A_98 : i32
      %mul3A_100 = arith.constant 256 : i32
      %mul3A_101 = arith.muli %mul3A_100, %arg1 : i32
      %add3A_102 = arith.constant 160 : i32
      %add3A_103 = arith.addi %mul3A_101, %add3A_102 : i32
      %dma_start3A_104 = arith.constant 5 : i32
      %dma_start3A_105 = arith.constant 40 : i32
      %dma_start3A_106 = tpu.memref_slice %arg4[%dma_start3A_105] : memref<64xf32, #tpu.memory_space<vmem>> -> memref<8xf32, #tpu.memory_space<vmem>>
      %dma_start3A_107 = tpu.memref_slice %arg2[%dma_start3A_104, %add3A_99, %add3A_103] : memref<8x2048x2048xf32, #tpu.memory_space<hbm>> -> memref<1x1x8xf32, #tpu.memory_space<hbm>>
      %dma_start3A_108 = tpu.memref_squeeze %dma_start3A_107 : memref<1x1x8xf32, #tpu.memory_space<hbm>> -> memref<8xf32, #tpu.memory_space<hbm>>
      %dma_start3A_109 = arith.constant 40 : i32
      %dma_start3A_110 = tpu.memref_slice %arg4[%dma_start3A_109] : memref<64xf32, #tpu.memory_space<vmem>> -> memref<8xf32, #tpu.memory_space<vmem>>
      %dma_start3A_111 = tpu.memref_slice %arg2[%dma_start3A_104, %add3A_99, %add3A_103] : memref<8x2048x2048xf32, #tpu.memory_space<hbm>> -> memref<1x1x8xf32, #tpu.memory_space<hbm>>
      %dma_start3A_112 = tpu.memref_squeeze %dma_start3A_111 : memref<1x1x8xf32, #tpu.memory_space<hbm>> -> memref<8xf32, #tpu.memory_space<hbm>>
      tpu.enqueue_dma source(%dma_start3A_112 : memref<8xf32, #tpu.memory_space<hbm>>) target(%dma_start3A_110 : memref<8xf32, #tpu.memory_space<vmem>>) target_semaphore(%arg6 : memref<!tpu.dma_semaphore, #tpu.memory_space<semaphore_mem>>)
      %mul3A_113 = arith.constant 128 : i32
      %mul3A_114 = arith.muli %mul3A_113, %arg1 : i32
      %add3A_115 = arith.constant 96 : i32
      %add3A_116 = arith.addi %mul3A_114, %add3A_115 : i32
      %add3A_117 = arith.constant 8 : i32
      %add3A_118 = arith.addi %add3A_116, %add3A_117 : i32
      %mul3A_119 = arith.constant 256 : i32
      %mul3A_120 = arith.muli %mul3A_119, %arg1 : i32
      %add3A_121 = arith.constant 192 : i32
      %add3A_122 = arith.addi %mul3A_120, %add3A_121 : i32
      %dma_start3A_123 = arith.constant 6 : i32
      %dma_start3A_124 = arith.constant 48 : i32
      %dma_start3A_125 = tpu.memref_slice %arg4[%dma_start3A_124] : memref<64xf32, #tpu.memory_space<vmem>> -> memref<8xf32, #tpu.memory_space<vmem>>
      %dma_start3A_126 = tpu.memref_slice %arg2[%dma_start3A_123, %add3A_118, %add3A_122] : memref<8x2048x2048xf32, #tpu.memory_space<hbm>> -> memref<1x1x8xf32, #tpu.memory_space<hbm>>
      %dma_start3A_127 = tpu.memref_squeeze %dma_start3A_126 : memref<1x1x8xf32, #tpu.memory_space<hbm>> -> memref<8xf32, #tpu.memory_space<hbm>>
      %dma_start3A_128 = arith.constant 48 : i32
      %dma_start3A_129 = tpu.memref_slice %arg4[%dma_start3A_128] : memref<64xf32, #tpu.memory_space<vmem>> -> memref<8xf32, #tpu.memory_space<vmem>>
      %dma_start3A_130 = tpu.memref_slice %arg2[%dma_start3A_123, %add3A_118, %add3A_122] : memref<8x2048x2048xf32, #tpu.memory_space<hbm>> -> memref<1x1x8xf32, #tpu.memory_space<hbm>>
      %dma_start3A_131 = tpu.memref_squeeze %dma_start3A_130 : memref<1x1x8xf32, #tpu.memory_space<hbm>> -> memref<8xf32, #tpu.memory_space<hbm>>
      tpu.enqueue_dma source(%dma_start3A_131 : memref<8xf32, #tpu.memory_space<hbm>>) target(%dma_start3A_129 : memref<8xf32, #tpu.memory_space<vmem>>) target_semaphore(%arg6 : memref<!tpu.dma_semaphore, #tpu.memory_space<semaphore_mem>>)
      %mul3A_132 = arith.constant 128 : i32
      %mul3A_133 = arith.muli %mul3A_132, %arg1 : i32
      %add3A_134 = arith.constant 112 : i32
      %add3A_135 = arith.addi %mul3A_133, %add3A_134 : i32
      %add3A_136 = arith.constant 8 : i32
      %add3A_137 = arith.addi %add3A_135, %add3A_136 : i32
      %mul3A_138 = arith.constant 256 : i32
      %mul3A_139 = arith.muli %mul3A_138, %arg1 : i32
      %add3A_140 = arith.constant 224 : i32
      %add3A_141 = arith.addi %mul3A_139, %add3A_140 : i32
      %dma_start3A_142 = arith.constant 7 : i32
      %dma_start3A_143 = arith.constant 56 : i32
      %dma_start3A_144 = tpu.memref_slice %arg4[%dma_start3A_143] : memref<64xf32, #tpu.memory_space<vmem>> -> memref<8xf32, #tpu.memory_space<vmem>>
      %dma_start3A_145 = tpu.memref_slice %arg2[%dma_start3A_142, %add3A_137, %add3A_141] : memref<8x2048x2048xf32, #tpu.memory_space<hbm>> -> memref<1x1x8xf32, #tpu.memory_space<hbm>>
      %dma_start3A_146 = tpu.memref_squeeze %dma_start3A_145 : memref<1x1x8xf32, #tpu.memory_space<hbm>> -> memref<8xf32, #tpu.memory_space<hbm>>
      %dma_start3A_147 = arith.constant 56 : i32
      %dma_start3A_148 = tpu.memref_slice %arg4[%dma_start3A_147] : memref<64xf32, #tpu.memory_space<vmem>> -> memref<8xf32, #tpu.memory_space<vmem>>
      %dma_start3A_149 = tpu.memref_slice %arg2[%dma_start3A_142, %add3A_137, %add3A_141] : memref<8x2048x2048xf32, #tpu.memory_space<hbm>> -> memref<1x1x8xf32, #tpu.memory_space<hbm>>
      %dma_start3A_150 = tpu.memref_squeeze %dma_start3A_149 : memref<1x1x8xf32, #tpu.memory_space<hbm>> -> memref<8xf32, #tpu.memory_space<hbm>>
      tpu.enqueue_dma source(%dma_start3A_150 : memref<8xf32, #tpu.memory_space<hbm>>) target(%dma_start3A_148 : memref<8xf32, #tpu.memory_space<vmem>>) target_semaphore(%arg6 : memref<!tpu.dma_semaphore, #tpu.memory_space<semaphore_mem>>)
      %dma_wait3A = arith.constant 0 : i32
      %dma_wait3A_151 = arith.constant 0 : i32
      %dma_wait3A_152 = tpu.memref_slice %arg4[%dma_wait3A_151] : memref<64xf32, #tpu.memory_space<vmem>> -> memref<8xf32, #tpu.memory_space<vmem>>
      %dma_wait3A_153 = tpu.memref_slice %arg2[%dma_wait3A, %add3A_5, %add3A_9] : memref<8x2048x2048xf32, #tpu.memory_space<hbm>> -> memref<1x1x8xf32, #tpu.memory_space<hbm>>
      %dma_wait3A_154 = tpu.memref_squeeze %dma_wait3A_153 : memref<1x1x8xf32, #tpu.memory_space<hbm>> -> memref<8xf32, #tpu.memory_space<hbm>>
      %dma_wait3A_155 = arith.constant 0 : i32
      %dma_wait3A_156 = tpu.memref_slice %arg4[%dma_wait3A_155] : memref<64xf32, #tpu.memory_space<vmem>> -> memref<8xf32, #tpu.memory_space<vmem>>
      %dma_wait3A_157 = tpu.memref_slice %arg2[%dma_wait3A, %add3A_5, %add3A_9] : memref<8x2048x2048xf32, #tpu.memory_space<hbm>> -> memref<1x1x8xf32, #tpu.memory_space<hbm>>
      %dma_wait3A_158 = tpu.memref_squeeze %dma_wait3A_157 : memref<1x1x8xf32, #tpu.memory_space<hbm>> -> memref<8xf32, #tpu.memory_space<hbm>>
      tpu.wait_dma2 semaphore(%arg6 : memref<!tpu.dma_semaphore, #tpu.memory_space<semaphore_mem>>) src(%dma_wait3A_158 : memref<8xf32, #tpu.memory_space<hbm>>) dst(%dma_wait3A_156 : memref<8xf32, #tpu.memory_space<vmem>>)
      %dma_wait3A_159 = arith.constant 1 : i32
      %dma_wait3A_160 = arith.constant 8 : i32
      %dma_wait3A_161 = tpu.memref_slice %arg4[%dma_wait3A_160] : memref<64xf32, #tpu.memory_space<vmem>> -> memref<8xf32, #tpu.memory_space<vmem>>
      %dma_wait3A_162 = tpu.memref_slice %arg2[%dma_wait3A_159, %add3A_23, %add3A_27] : memref<8x2048x2048xf32, #tpu.memory_space<hbm>> -> memref<1x1x8xf32, #tpu.memory_space<hbm>>
      %dma_wait3A_163 = tpu.memref_squeeze %dma_wait3A_162 : memref<1x1x8xf32, #tpu.memory_space<hbm>> -> memref<8xf32, #tpu.memory_space<hbm>>
      %dma_wait3A_164 = arith.constant 8 : i32
      %dma_wait3A_165 = tpu.memref_slice %arg4[%dma_wait3A_164] : memref<64xf32, #tpu.memory_space<vmem>> -> memref<8xf32, #tpu.memory_space<vmem>>
      %dma_wait3A_166 = tpu.memref_slice %arg2[%dma_wait3A_159, %add3A_23, %add3A_27] : memref<8x2048x2048xf32, #tpu.memory_space<hbm>> -> memref<1x1x8xf32, #tpu.memory_space<hbm>>
      %dma_wait3A_167 = tpu.memref_squeeze %dma_wait3A_166 : memref<1x1x8xf32, #tpu.memory_space<hbm>> -> memref<8xf32, #tpu.memory_space<hbm>>
      tpu.wait_dma2 semaphore(%arg6 : memref<!tpu.dma_semaphore, #tpu.memory_space<semaphore_mem>>) src(%dma_wait3A_167 : memref<8xf32, #tpu.memory_space<hbm>>) dst(%dma_wait3A_165 : memref<8xf32, #tpu.memory_space<vmem>>)
      %dma_wait3A_168 = arith.constant 2 : i32
      %dma_wait3A_169 = arith.constant 16 : i32
      %dma_wait3A_170 = tpu.memref_slice %arg4[%dma_wait3A_169] : memref<64xf32, #tpu.memory_space<vmem>> -> memref<8xf32, #tpu.memory_space<vmem>>
      %dma_wait3A_171 = tpu.memref_slice %arg2[%dma_wait3A_168, %add3A_42, %add3A_46] : memref<8x2048x2048xf32, #tpu.memory_space<hbm>> -> memref<1x1x8xf32, #tpu.memory_space<hbm>>
      %dma_wait3A_172 = tpu.memref_squeeze %dma_wait3A_171 : memref<1x1x8xf32, #tpu.memory_space<hbm>> -> memref<8xf32, #tpu.memory_space<hbm>>
      %dma_wait3A_173 = arith.constant 16 : i32
      %dma_wait3A_174 = tpu.memref_slice %arg4[%dma_wait3A_173] : memref<64xf32, #tpu.memory_space<vmem>> -> memref<8xf32, #tpu.memory_space<vmem>>
      %dma_wait3A_175 = tpu.memref_slice %arg2[%dma_wait3A_168, %add3A_42, %add3A_46] : memref<8x2048x2048xf32, #tpu.memory_space<hbm>> -> memref<1x1x8xf32, #tpu.memory_space<hbm>>
      %dma_wait3A_176 = tpu.memref_squeeze %dma_wait3A_175 : memref<1x1x8xf32, #tpu.memory_space<hbm>> -> memref<8xf32, #tpu.memory_space<hbm>>
      tpu.wait_dma2 semaphore(%arg6 : memref<!tpu.dma_semaphore, #tpu.memory_space<semaphore_mem>>) src(%dma_wait3A_176 : memref<8xf32, #tpu.memory_space<hbm>>) dst(%dma_wait3A_174 : memref<8xf32, #tpu.memory_space<vmem>>)
      %dma_wait3A_177 = arith.constant 3 : i32
      %dma_wait3A_178 = arith.constant 24 : i32
      %dma_wait3A_179 = tpu.memref_slice %arg4[%dma_wait3A_178] : memref<64xf32, #tpu.memory_space<vmem>> -> memref<8xf32, #tpu.memory_space<vmem>>
      %dma_wait3A_180 = tpu.memref_slice %arg2[%dma_wait3A_177, %add3A_61, %add3A_65] : memref<8x2048x2048xf32, #tpu.memory_space<hbm>> -> memref<1x1x8xf32, #tpu.memory_space<hbm>>
      %dma_wait3A_181 = tpu.memref_squeeze %dma_wait3A_180 : memref<1x1x8xf32, #tpu.memory_space<hbm>> -> memref<8xf32, #tpu.memory_space<hbm>>
      %dma_wait3A_182 = arith.constant 24 : i32
      %dma_wait3A_183 = tpu.memref_slice %arg4[%dma_wait3A_182] : memref<64xf32, #tpu.memory_space<vmem>> -> memref<8xf32, #tpu.memory_space<vmem>>
      %dma_wait3A_184 = tpu.memref_slice %arg2[%dma_wait3A_177, %add3A_61, %add3A_65] : memref<8x2048x2048xf32, #tpu.memory_space<hbm>> -> memref<1x1x8xf32, #tpu.memory_space<hbm>>
      %dma_wait3A_185 = tpu.memref_squeeze %dma_wait3A_184 : memref<1x1x8xf32, #tpu.memory_space<hbm>> -> memref<8xf32, #tpu.memory_space<hbm>>
      tpu.wait_dma2 semaphore(%arg6 : memref<!tpu.dma_semaphore, #tpu.memory_space<semaphore_mem>>) src(%dma_wait3A_185 : memref<8xf32, #tpu.memory_space<hbm>>) dst(%dma_wait3A_183 : memref<8xf32, #tpu.memory_space<vmem>>)
      %dma_wait3A_186 = arith.constant 4 : i32
      %dma_wait3A_187 = arith.constant 32 : i32
      %dma_wait3A_188 = tpu.memref_slice %arg4[%dma_wait3A_187] : memref<64xf32, #tpu.memory_space<vmem>> -> memref<8xf32, #tpu.memory_space<vmem>>
      %dma_wait3A_189 = tpu.memref_slice %arg2[%dma_wait3A_186, %add3A_80, %add3A_84] : memref<8x2048x2048xf32, #tpu.memory_space<hbm>> -> memref<1x1x8xf32, #tpu.memory_space<hbm>>
      %dma_wait3A_190 = tpu.memref_squeeze %dma_wait3A_189 : memref<1x1x8xf32, #tpu.memory_space<hbm>> -> memref<8xf32, #tpu.memory_space<hbm>>
      %dma_wait3A_191 = arith.constant 32 : i32
      %dma_wait3A_192 = tpu.memref_slice %arg4[%dma_wait3A_191] : memref<64xf32, #tpu.memory_space<vmem>> -> memref<8xf32, #tpu.memory_space<vmem>>
      %dma_wait3A_193 = tpu.memref_slice %arg2[%dma_wait3A_186, %add3A_80, %add3A_84] : memref<8x2048x2048xf32, #tpu.memory_space<hbm>> -> memref<1x1x8xf32, #tpu.memory_space<hbm>>
      %dma_wait3A_194 = tpu.memref_squeeze %dma_wait3A_193 : memref<1x1x8xf32, #tpu.memory_space<hbm>> -> memref<8xf32, #tpu.memory_space<hbm>>
      tpu.wait_dma2 semaphore(%arg6 : memref<!tpu.dma_semaphore, #tpu.memory_space<semaphore_mem>>) src(%dma_wait3A_194 : memref<8xf32, #tpu.memory_space<hbm>>) dst(%dma_wait3A_192 : memref<8xf32, #tpu.memory_space<vmem>>)
      %dma_wait3A_195 = arith.constant 5 : i32
      %dma_wait3A_196 = arith.constant 40 : i32
      %dma_wait3A_197 = tpu.memref_slice %arg4[%dma_wait3A_196] : memref<64xf32, #tpu.memory_space<vmem>> -> memref<8xf32, #tpu.memory_space<vmem>>
      %dma_wait3A_198 = tpu.memref_slice %arg2[%dma_wait3A_195, %add3A_99, %add3A_103] : memref<8x2048x2048xf32, #tpu.memory_space<hbm>> -> memref<1x1x8xf32, #tpu.memory_space<hbm>>
      %dma_wait3A_199 = tpu.memref_squeeze %dma_wait3A_198 : memref<1x1x8xf32, #tpu.memory_space<hbm>> -> memref<8xf32, #tpu.memory_space<hbm>>
      %dma_wait3A_200 = arith.constant 40 : i32
      %dma_wait3A_201 = tpu.memref_slice %arg4[%dma_wait3A_200] : memref<64xf32, #tpu.memory_space<vmem>> -> memref<8xf32, #tpu.memory_space<vmem>>
      %dma_wait3A_202 = tpu.memref_slice %arg2[%dma_wait3A_195, %add3A_99, %add3A_103] : memref<8x2048x2048xf32, #tpu.memory_space<hbm>> -> memref<1x1x8xf32, #tpu.memory_space<hbm>>
      %dma_wait3A_203 = tpu.memref_squeeze %dma_wait3A_202 : memref<1x1x8xf32, #tpu.memory_space<hbm>> -> memref<8xf32, #tpu.memory_space<hbm>>
      tpu.wait_dma2 semaphore(%arg6 : memref<!tpu.dma_semaphore, #tpu.memory_space<semaphore_mem>>) src(%dma_wait3A_203 : memref<8xf32, #tpu.memory_space<hbm>>) dst(%dma_wait3A_201 : memref<8xf32, #tpu.memory_space<vmem>>)
      %dma_wait3A_204 = arith.constant 6 : i32
      %dma_wait3A_205 = arith.constant 48 : i32
      %dma_wait3A_206 = tpu.memref_slice %arg4[%dma_wait3A_205] : memref<64xf32, #tpu.memory_space<vmem>> -> memref<8xf32, #tpu.memory_space<vmem>>
      %dma_wait3A_207 = tpu.memref_slice %arg2[%dma_wait3A_204, %add3A_118, %add3A_122] : memref<8x2048x2048xf32, #tpu.memory_space<hbm>> -> memref<1x1x8xf32, #tpu.memory_space<hbm>>
      %dma_wait3A_208 = tpu.memref_squeeze %dma_wait3A_207 : memref<1x1x8xf32, #tpu.memory_space<hbm>> -> memref<8xf32, #tpu.memory_space<hbm>>
      %dma_wait3A_209 = arith.constant 48 : i32
      %dma_wait3A_210 = tpu.memref_slice %arg4[%dma_wait3A_209] : memref<64xf32, #tpu.memory_space<vmem>> -> memref<8xf32, #tpu.memory_space<vmem>>
      %dma_wait3A_211 = tpu.memref_slice %arg2[%dma_wait3A_204, %add3A_118, %add3A_122] : memref<8x2048x2048xf32, #tpu.memory_space<hbm>> -> memref<1x1x8xf32, #tpu.memory_space<hbm>>
      %dma_wait3A_212 = tpu.memref_squeeze %dma_wait3A_211 : memref<1x1x8xf32, #tpu.memory_space<hbm>> -> memref<8xf32, #tpu.memory_space<hbm>>
      tpu.wait_dma2 semaphore(%arg6 : memref<!tpu.dma_semaphore, #tpu.memory_space<semaphore_mem>>) src(%dma_wait3A_212 : memref<8xf32, #tpu.memory_space<hbm>>) dst(%dma_wait3A_210 : memref<8xf32, #tpu.memory_space<vmem>>)
      %dma_wait3A_213 = arith.constant 7 : i32
      %dma_wait3A_214 = arith.constant 56 : i32
      %dma_wait3A_215 = tpu.memref_slice %arg4[%dma_wait3A_214] : memref<64xf32, #tpu.memory_space<vmem>> -> memref<8xf32, #tpu.memory_space<vmem>>
      %dma_wait3A_216 = tpu.memref_slice %arg2[%dma_wait3A_213, %add3A_137, %add3A_141] : memref<8x2048x2048xf32, #tpu.memory_space<hbm>> -> memref<1x1x8xf32, #tpu.memory_space<hbm>>
      %dma_wait3A_217 = tpu.memref_squeeze %dma_wait3A_216 : memref<1x1x8xf32, #tpu.memory_space<hbm>> -> memref<8xf32, #tpu.memory_space<hbm>>
      %dma_wait3A_218 = arith.constant 56 : i32
      %dma_wait3A_219 = tpu.memref_slice %arg4[%dma_wait3A_218] : memref<64xf32, #tpu.memory_space<vmem>> -> memref<8xf32, #tpu.memory_space<vmem>>
      %dma_wait3A_220 = tpu.memref_slice %arg2[%dma_wait3A_213, %add3A_137, %add3A_141] : memref<8x2048x2048xf32, #tpu.memory_space<hbm>> -> memref<1x1x8xf32, #tpu.memory_space<hbm>>
      %dma_wait3A_221 = tpu.memref_squeeze %dma_wait3A_220 : memref<1x1x8xf32, #tpu.memory_space<hbm>> -> memref<8xf32, #tpu.memory_space<hbm>>
      tpu.wait_dma2 semaphore(%arg6 : memref<!tpu.dma_semaphore, #tpu.memory_space<semaphore_mem>>) src(%dma_wait3A_221 : memref<8xf32, #tpu.memory_space<hbm>>) dst(%dma_wait3A_219 : memref<8xf32, #tpu.memory_space<vmem>>)
      %iota3A = tpu.iota {dimensions = array<i32: 0>} : vector<16xi32>
      %broadcast_in_dim3A = arith.constant 0.000000e+00 : f32
      %broadcast_in_dim3A_222 = vector.broadcast %broadcast_in_dim3A : f32 to vector<16xf32>
      %get3A = arith.constant 0 : index
      %get3A_223 = tpu.vector_load %arg4[%get3A] {strides = array<i32>} : memref<64xf32, #tpu.memory_space<vmem>>, vector<16xf32>,
      %get3A_224 = vector.shape_cast %get3A_223 : vector<16xf32> to vector<16xf32>
      %eq3A = arith.constant 0 : i32
      %eq3A_225 = vector.broadcast %eq3A : i32 to vector<16xi32>
      %eq3A_226 = arith.cmpi eq, %iota3A, %eq3A_225 : vector<16xi32>
      %slice3A = vector.extract_strided_slice %get3A_224 {offsets = [0], sizes = [1], strides = [1]} : vector<16xf32> to vector<1xf32>
      %squeeze3A = vector.extract %slice3A[0] : f32 from vector<1xf32>
      %broadcast_in_dim3A_227 = vector.broadcast %squeeze3A : f32 to vector<16xf32>
      %select_n3A = arith.select %eq3A_226, %broadcast_in_dim3A_227, %broadcast_in_dim3A_222 : vector<16xi1>, vector<16xf32>
      %get3A_228 = arith.constant 0 : index
      %get3A_229 = tpu.vector_load %arg4[%get3A_228] {strides = array<i32>} : memref<64xf32, #tpu.memory_space<vmem>>, vector<16xf32>,
      %get3A_230 = vector.shape_cast %get3A_229 : vector<16xf32> to vector<16xf32>
      %eq3A_231 = arith.constant 1 : i32
      %eq3A_232 = vector.broadcast %eq3A_231 : i32 to vector<16xi32>
      %eq3A_233 = arith.cmpi eq, %iota3A, %eq3A_232 : vector<16xi32>
      %slice3A_234 = vector.extract_strided_slice %get3A_230 {offsets = [8], sizes = [1], strides = [1]} : vector<16xf32> to vector<1xf32>
      %squeeze3A_235 = vector.extract %slice3A_234[0] : f32 from vector<1xf32>
      %broadcast_in_dim3A_236 = vector.broadcast %squeeze3A_235 : f32 to vector<16xf32>
      %select_n3A_237 = arith.select %eq3A_233, %broadcast_in_dim3A_236, %select_n3A : vector<16xi1>, vector<16xf32>
      %get3A_238 = arith.constant 16 : index
      %get3A_239 = tpu.vector_load %arg4[%get3A_238] {strides = array<i32>} : memref<64xf32, #tpu.memory_space<vmem>>, vector<16xf32>,
      %get3A_240 = vector.shape_cast %get3A_239 : vector<16xf32> to vector<16xf32>
      %eq3A_241 = arith.constant 2 : i32
      %eq3A_242 = vector.broadcast %eq3A_241 : i32 to vector<16xi32>
      %eq3A_243 = arith.cmpi eq, %iota3A, %eq3A_242 : vector<16xi32>
      %slice3A_244 = vector.extract_strided_slice %get3A_240 {offsets = [0], sizes = [1], strides = [1]} : vector<16xf32> to vector<1xf32>
      %squeeze3A_245 = vector.extract %slice3A_244[0] : f32 from vector<1xf32>
      %broadcast_in_dim3A_246 = vector.broadcast %squeeze3A_245 : f32 to vector<16xf32>
      %select_n3A_247 = arith.select %eq3A_243, %broadcast_in_dim3A_246, %select_n3A_237 : vector<16xi1>, vector<16xf32>
      %get3A_248 = arith.constant 16 : index
      %get3A_249 = tpu.vector_load %arg4[%get3A_248] {strides = array<i32>} : memref<64xf32, #tpu.memory_space<vmem>>, vector<16xf32>,
      %get3A_250 = vector.shape_cast %get3A_249 : vector<16xf32> to vector<16xf32>
      %eq3A_251 = arith.constant 3 : i32
      %eq3A_252 = vector.broadcast %eq3A_251 : i32 to vector<16xi32>
      %eq3A_253 = arith.cmpi eq, %iota3A, %eq3A_252 : vector<16xi32>
      %slice3A_254 = vector.extract_strided_slice %get3A_250 {offsets = [8], sizes = [1], strides = [1]} : vector<16xf32> to vector<1xf32>
      %squeeze3A_255 = vector.extract %slice3A_254[0] : f32 from vector<1xf32>
      %broadcast_in_dim3A_256 = vector.broadcast %squeeze3A_255 : f32 to vector<16xf32>
      %select_n3A_257 = arith.select %eq3A_253, %broadcast_in_dim3A_256, %select_n3A_247 : vector<16xi1>, vector<16xf32>
      %get3A_258 = arith.constant 32 : index
      %get3A_259 = tpu.vector_load %arg4[%get3A_258] {strides = array<i32>} : memref<64xf32, #tpu.memory_space<vmem>>, vector<16xf32>,
      %get3A_260 = vector.shape_cast %get3A_259 : vector<16xf32> to vector<16xf32>
      %eq3A_261 = arith.constant 4 : i32
      %eq3A_262 = vector.broadcast %eq3A_261 : i32 to vector<16xi32>
      %eq3A_263 = arith.cmpi eq, %iota3A, %eq3A_262 : vector<16xi32>
      %slice3A_264 = vector.extract_strided_slice %get3A_260 {offsets = [0], sizes = [1], strides = [1]} : vector<16xf32> to vector<1xf32>
      %squeeze3A_265 = vector.extract %slice3A_264[0] : f32 from vector<1xf32>
      %broadcast_in_dim3A_266 = vector.broadcast %squeeze3A_265 : f32 to vector<16xf32>
      %select_n3A_267 = arith.select %eq3A_263, %broadcast_in_dim3A_266, %select_n3A_257 : vector<16xi1>, vector<16xf32>
      %get3A_268 = arith.constant 32 : index
      %get3A_269 = tpu.vector_load %arg4[%get3A_268] {strides = array<i32>} : memref<64xf32, #tpu.memory_space<vmem>>, vector<16xf32>,
      %get3A_270 = vector.shape_cast %get3A_269 : vector<16xf32> to vector<16xf32>
      %eq3A_271 = arith.constant 5 : i32
      %eq3A_272 = vector.broadcast %eq3A_271 : i32 to vector<16xi32>
      %eq3A_273 = arith.cmpi eq, %iota3A, %eq3A_272 : vector<16xi32>
      %slice3A_274 = vector.extract_strided_slice %get3A_270 {offsets = [8], sizes = [1], strides = [1]} : vector<16xf32> to vector<1xf32>
      %squeeze3A_275 = vector.extract %slice3A_274[0] : f32 from vector<1xf32>
      %broadcast_in_dim3A_276 = vector.broadcast %squeeze3A_275 : f32 to vector<16xf32>
      %select_n3A_277 = arith.select %eq3A_273, %broadcast_in_dim3A_276, %select_n3A_267 : vector<16xi1>, vector<16xf32>
      %get3A_278 = arith.constant 48 : index
      %get3A_279 = tpu.vector_load %arg4[%get3A_278] {strides = array<i32>} : memref<64xf32, #tpu.memory_space<vmem>>, vector<16xf32>,
      %get3A_280 = vector.shape_cast %get3A_279 : vector<16xf32> to vector<16xf32>
      %eq3A_281 = arith.constant 6 : i32
      %eq3A_282 = vector.broadcast %eq3A_281 : i32 to vector<16xi32>
      %eq3A_283 = arith.cmpi eq, %iota3A, %eq3A_282 : vector<16xi32>
      %slice3A_284 = vector.extract_strided_slice %get3A_280 {offsets = [0], sizes = [1], strides = [1]} : vector<16xf32> to vector<1xf32>
      %squeeze3A_285 = vector.extract %slice3A_284[0] : f32 from vector<1xf32>
      %broadcast_in_dim3A_286 = vector.broadcast %squeeze3A_285 : f32 to vector<16xf32>
      %select_n3A_287 = arith.select %eq3A_283, %broadcast_in_dim3A_286, %select_n3A_277 : vector<16xi1>, vector<16xf32>
      %get3A_288 = arith.constant 48 : index
      %get3A_289 = tpu.vector_load %arg4[%get3A_288] {strides = array<i32>} : memref<64xf32, #tpu.memory_space<vmem>>, vector<16xf32>,
      %get3A_290 = vector.shape_cast %get3A_289 : vector<16xf32> to vector<16xf32>
      %eq3A_291 = arith.constant 7 : i32
      %eq3A_292 = vector.broadcast %eq3A_291 : i32 to vector<16xi32>
      %eq3A_293 = arith.cmpi eq, %iota3A, %eq3A_292 : vector<16xi32>
      %slice3A_294 = vector.extract_strided_slice %get3A_290 {offsets = [8], sizes = [1], strides = [1]} : vector<16xf32> to vector<1xf32>
      %squeeze3A_295 = vector.extract %slice3A_294[0] : f32 from vector<1xf32>
      %broadcast_in_dim3A_296 = vector.broadcast %squeeze3A_295 : f32 to vector<16xf32>
      %select_n3A_297 = arith.select %eq3A_293, %broadcast_in_dim3A_296, %select_n3A_287 : vector<16xi1>, vector<16xf32>
      %swap3A = arith.constant 0 : index
      %swap3A_298 = tpu.vector_load %arg5[%swap3A] {strides = array<i32>} : memref<16xf32, #tpu.memory_space<vmem>>, vector<16xf32>,
      %swap3A_299 = vector.shape_cast %swap3A_298 : vector<16xf32> to vector<16xf32>
      %swap3A_300 = vector.shape_cast %select_n3A_297 : vector<16xf32> to vector<16xf32>
      tpu.vector_store %arg5[%swap3A], %swap3A_300 {strides = array<i32>} : memref<16xf32, #tpu.memory_space<vmem>>, vector<16xf32>,
      %mul3A_301 = arith.constant 8 : i32
      %mul3A_302 = arith.muli %mul3A_301, %arg1 : i32
      "tpu.region"() ({
        %run_scoped3A = tpu.sem_alloc : memref<!tpu.dma_semaphore, #tpu.memory_space<semaphore_mem>>
        %dma_start3A_303 = arith.constant 0 : i32
        %dma_start3A_304 = tpu.memref_slice %arg5[%dma_start3A_303] : memref<16xf32, #tpu.memory_space<vmem>> -> memref<8xf32, #tpu.memory_space<vmem>>
        %dma_start3A_305 = tpu.memref_slice %arg3[%mul3A_302] : memref<64xf32, #tpu.memory_space<hbm>> -> memref<8xf32, #tpu.memory_space<hbm>>
        %dma_start3A_306 = tpu.memref_slice %arg3[%mul3A_302] : memref<64xf32, #tpu.memory_space<hbm>> -> memref<8xf32, #tpu.memory_space<hbm>>
        %dma_start3A_307 = arith.constant 0 : i32
        %dma_start3A_308 = tpu.memref_slice %arg5[%dma_start3A_307] : memref<16xf32, #tpu.memory_space<vmem>> -> memref<8xf32, #tpu.memory_space<vmem>>
        tpu.enqueue_dma source(%dma_start3A_308 : memref<8xf32, #tpu.memory_space<vmem>>) target(%dma_start3A_306 : memref<8xf32, #tpu.memory_space<hbm>>) target_semaphore(%run_scoped3A : memref<!tpu.dma_semaphore, #tpu.memory_space<semaphore_mem>>)
        %dma_wait3A_309 = arith.constant 0 : i32
        %dma_wait3A_310 = tpu.memref_slice %arg5[%dma_wait3A_309] : memref<16xf32, #tpu.memory_space<vmem>> -> memref<8xf32, #tpu.memory_space<vmem>>
        %dma_wait3A_311 = tpu.memref_slice %arg3[%mul3A_302] : memref<64xf32, #tpu.memory_space<hbm>> -> memref<8xf32, #tpu.memory_space<hbm>>
        %dma_wait3A_312 = tpu.memref_slice %arg3[%mul3A_302] : memref<64xf32, #tpu.memory_space<hbm>> -> memref<8xf32, #tpu.memory_space<hbm>>
        %dma_wait3A_313 = arith.constant 0 : i32
        %dma_wait3A_314 = tpu.memref_slice %arg5[%dma_wait3A_313] : memref<16xf32, #tpu.memory_space<vmem>> -> memref<8xf32, #tpu.memory_space<vmem>>
        tpu.wait_dma2 semaphore(%run_scoped3A : memref<!tpu.dma_semaphore, #tpu.memory_space<semaphore_mem>>) src(%dma_wait3A_314 : memref<8xf32, #tpu.memory_space<vmem>>) dst(%dma_wait3A_312 : memref<8xf32, #tpu.memory_space<hbm>>)
        tpu.yield
      }) : () -> ()
    } else {
    }
    return
  }
}

</mosaic_0001>

<sc_bundles>
// kernel: kernel.3.cloned.1.call-start
scs
__scs_entry_jumppad:
0x0: {  	(pc) =	sbr.rel $0x88, $3  }
0x1: {  	(tag) =	ssettag $0x0;
	lr =	simm.s32 $0x1  }
0x2: {  	[smem:$0x3FA0] =	sst lr;
	_ =	strace $0xD0000000  }
0x3: {  	_ = 	snop  }
0x4: {  	_ = 	snop  }
0x5: {  	_ = 	snop  }
0x6: {  	_ = 	snop  }
0x7: {  	_ = 	snop  }
__scs_overlays_trampoline_lowered:
0x8: {  	[smem:$0x3FAF] =	sst s0  }
0x9: {  	[smem:$0x3FB0] =	sst s1  }
0xa: {  	[smem:$0x3FB1] =	sst s2  }
0xb: {  	[smem:$0x3FB2] =	sst s3  }
0xc: {  	[smem:$0x3FB3] =	sst s4  }
0xd: {  	[smem:$0x3FB4] =	sst s5  }
0xe: {  	[smem:$0x3FB5] =	sst s6  }
0xf: {  	[smem:$0x3FB6] =	sst s7  }
0x10: {  	[smem:$0x3FB7] =	sst s8  }
0x11: {  	[smem:$0x3FB8] =	sst s9;
	s0 =	simm.s32 @!p0 $0x0  }
0x12: {  	s1 =	sld [smem:$0x3F9E];
	s0 =	simm.s32 @p0 $0x1  }
0x13: {  	[smem:$0x3FB9] =	sst s0;
	s0 =	simm.s32 @!p1 $0x0  }
0x14: {  	s2 =	sld [smem:$0x3F9D];
	s0 =	simm.s32 @p1 $0x1  }
0x15: {  	[smem:$0x3FBA] =	sst s0;
	s0 =	simm.s32 @!p2 $0x0  }
0x16: {  	s3 =	sld [smem:$0x3FDB];
	s0 =	simm.s32 @p2 $0x1  }
0x17: {  	s4 =	simm.s32 $0x1BF5;
	[smem:$0x3FBC] =	sst s0  }
0x18: {  	s0 =	sld [smem:$0x3F9F];
	_ =	swait.ge [sflag:s4], $0x0  }
0x19: {  	s7 =	sld [smem:$0x3FA0]  }
0x1a: {  	s8 =	sadd.s32 $0xFFFFE003, lr  }
0x1b: {  	s9 =	sadd.s32 $0xFFFFFEF7, lr;
	s5 =	simm.s32 $0xFFFFFFFF;
	p2 =	slt.u32 s8, $0xFFFFF086  }
0x1c: {  	p1 =	slt.u32 s9, $0xF7A;
	s5 =	simm.s32 @!p2 $0x0  }
0x1d: {  	s5 =	simm.s32 @p1 $0x1;
	p0 =	seq.s32 s7, s2  }
0x1e: {  	s7 =	smul.u32 @!p0 $0xF7A, s2;
	p2 =	seq.s32 @!p0 s5, $0x0  }
0x1f: {  	s9 =	smul.u32 $0xF7A, s1;
	s8 =	simm.s32 @!p0 $0x1BF5;
	p2 =	por !p2, p0  }
0x20: {  	[sflag:s8] =	ssyncset.s32 @!p0 $0xFFFFF086;
	s6 =	sadd.s32 @!p0 s3, s7;
	s7 =	simm.s32 @!p0 $0x108  }
0x21: {  	s3 =	sadd.s32 s3, s9;
	s6 =	sadd.s32 @!p0 $0x88, s6;
	s7 =	simm.s32 @p2 $0x1082  }
0x22: {  	[simem:s7], [sflag:s8] =	dma.local @!p0 [hbm:s6], $0xF7A  }
0x23: {  	s9 =	sor.u32 $0xD0000000, s2;
	s6 =	simm.s32 $0x108;
	_ =	swait.ge @!p0 [sflag:s8], $0x0  }
0x24: {  	s3 =	sadd.s32 $0x88, s3;
	s6 =	simm.s32 @!p1 $0x1082;
	[sflag:s4] =	ssyncset.s32 $0xFFFFF086  }
0x25: {  	[simem:s6], [sflag:s4] =	dma.local [hbm:s3], $0xF7A  }
0x26: {  	[smem:$0x3FA0] =	sst s1;
	(tag) =	ssettag s2;
	_ =	strace s9  }
0x27: {  	s1 =	sld [smem:$0x3FB0]  }
0x28: {  	s2 =	sld [smem:$0x3FB1]  }
0x29: {  	s4 =	sld [smem:$0x3FB3]  }
0x2a: {  	p0 =	seq.s32 s5, $0x0;
	s5 =	sld [smem:$0x3FB4]  }
0x2b: {  	s6 =	sld [smem:$0x3FB5]  }
0x2c: {  	s7 =	sld [smem:$0x3FB6]  }
0x2d: {  	s3 =	simm.s32 $0x108;
	s8 =	sld [smem:$0x3FB7]  }
0x2e: {  	s3 =	simm.s32 @!p0 $0x1082;
	s9 =	sld [smem:$0x3FB8]  }
0x2f: {  	lr =	sadd.s32 s0, s3;
	s0 =	sld [smem:$0x3FAF]  }
0x30: {  	s3 =	sld [smem:$0x3FB2]  }
0x31: {  	[smem:$0x3FBB] =	sst s10  }
0x32: {  	s10 =	sld [smem:$0x3FB9];
	_ =	sdelay $0x3  }
0x33: {  	p0 =	seq.s32 s10, $0x1;
	s10 =	sld [smem:$0x3FBB];
	_ =	sdelay $0x3  }
0x34: {  	[smem:$0x3FBB] =	sst s10  }
0x35: {  	s10 =	sld [smem:$0x3FBA];
	_ =	sdelay $0x3  }
0x36: {  	p1 =	seq.s32 s10, $0x1;
	s10 =	sld [smem:$0x3FBB];
	_ =	sdelay $0x3  }
0x37: {  	[smem:$0x3FBB] =	sst s10  }
0x38: {  	s10 =	sld [smem:$0x3FBC]  }
0x39: {  	_ = 	snop;
	(pc) =	sbr.ind lr, $3  }
0x3a: {  	_ = 	snop  }
0x3b: {  	_ = 	snop  }
0x3c: {  	p2 =	seq.s32 s10, $0x1;
	s10 =	sld [smem:$0x3FBB]  }
0x3d: {  	_ =	shalt  }
0x3e: {  	_ =	shalt  }
0x3f: {  	_ =	shalt  }
0x40: {  	_ =	shalt  }
0x41: {  	_ =	shalt  }
0x42: {  	_ =	shalt  }
0x43: {  	_ =	shalt  }
0x44: {  	_ =	shalt  }
0x45: {  	_ =	shalt  }
0x46: {  	_ =	shalt  }
0x47: {  	_ =	shalt  }
0x48: {  	_ =	shalt  }
0x49: {  	_ =	shalt  }
0x4a: {  	_ =	shalt  }
0x4b: {  	_ =	shalt  }
0x4c: {  	_ =	shalt  }
0x4d: {  	_ =	shalt  }
0x4e: {  	_ =	shalt  }
0x4f: {  	_ =	shalt  }
0x50: {  	_ =	shalt  }
0x51: {  	_ =	shalt  }
0x52: {  	_ =	shalt  }
0x53: {  	_ =	shalt  }
0x54: {  	_ =	shalt  }
0x55: {  	_ =	shalt  }
0x56: {  	_ =	shalt  }
0x57: {  	_ =	shalt  }
0x58: {  	_ =	shalt  }
0x59: {  	_ =	shalt  }
0x5a: {  	_ =	shalt  }
0x5b: {  	_ =	shalt  }
0x5c: {  	_ =	shalt  }
0x5d: {  	_ =	shalt  }
0x5e: {  	_ =	shalt  }
0x5f: {  	_ =	shalt  }
0x60: {  	_ =	shalt  }
0x61: {  	_ =	shalt  }
0x62: {  	_ =	shalt  }
0x63: {  	_ =	shalt  }
0x64: {  	_ =	shalt  }
0x65: {  	_ =	shalt  }
0x66: {  	_ =	shalt  }
0x67: {  	_ =	shalt  }
0x68: {  	_ =	shalt  }
0x69: {  	_ =	shalt  }
0x6a: {  	_ =	shalt  }
0x6b: {  	_ =	shalt  }
0x6c: {  	_ =	shalt  }
0x6d: {  	_ =	shalt  }
0x6e: {  	_ =	shalt  }
0x6f: {  	_ =	shalt  }
0x70: {  	_ =	shalt  }
0x71: {  	_ =	shalt  }
0x72: {  	_ =	shalt  }
0x73: {  	_ =	shalt  }
0x74: {  	_ =	shalt  }
0x75: {  	_ =	shalt  }
0x76: {  	_ =	shalt  }
0x77: {  	_ =	shalt  }
0x78: {  	_ =	shalt  }
0x79: {  	_ =	shalt  }
0x7a: {  	_ =	shalt  }
0x7b: {  	_ =	shalt  }
0x7c: {  	_ =	shalt  }
0x7d: {  	_ =	shalt  }
0x7e: {  	_ =	shalt  }
0x7f: {  	_ =	shalt  }
0x80: {  	_ =	shalt  }
0x81: {  	_ =	shalt  }
0x82: {  	_ =	shalt  }
0x83: {  	_ =	shalt  }
0x84: {  	_ =	shalt  }
0x85: {  	_ =	shalt  }
0x86: {  	_ =	shalt  }
0x87: {  	_ =	shalt  }
.Lfunc_end0:
.L_simem_size_0:
called_computation_lowered:
.L_overlay_start_0:
0x88: {  	s0 =	sld [smem:$0x3FD9]  }
0x89: {  	s1 =	sld [smem:$0x3FFE];
	_ =	sdelay $0x3  }
0x8a: {  	s0 =	sadd.s32 s1, s0  }
0x8b: {  	[smem:$0x3FC7] =	sst s0  }
0x8c: {  	_ = 	snop  }
0x8d: {  	s0 =	sld [smem:$0x3FC9]  }
0x8e: {  	s17 =	sld [smem:$0x3FD0];
	(tm) =	ssettm $0x1  }
0x8f: {  	s2 =	sld [smem:$0x3FFB];
	_ =	sdelay $0x3  }
0x90: {  	_ =	strace s2  }
0x91: {  	s2 =	sld [smem:$0x3FFC];
	_ =	sdelay $0x3  }
0x92: {  	_ =	strace s2  }
0x93: {  	s2 =	sld [smem:$0x3FFD];
	_ =	sdelay $0x3  }
0x94: {  	_ =	strace s2  }
0x95: {  	_ =	strace $0x8FFFFFFF  }
0x96: {  	s18 =	sld [smem:$0x3FDB];
	_ =	sdelay $0x1  }
0x97: {  	s3 =	simm.s32 $_scs_section_size  }
0x98: {  	s4 =	simm.s32 $_size__tile_overlayer_lowered;
	s5 =	simm.s32 $_tile_overlayer_lowered  }
0x99: {  	s21 =	simm.s32 $0x1BFF;
	s20 =	sshll.u32 s5, $0x1;
	s2 =	sadd.s32 s3, s18  }
0x9a: {  	s6 =	simm.s32 $0x0;
	s19 =	sshll.u32 s4, $0x1;
	s4 =	sadd.s32 s20, s2  }
0x9b: {  	[timem:s6], [sflag:s21] =	dma.local [hbm:s4], s19  }
0x9c: {  	_ =	swait.ge [sflag:s21], s19  }
0x9d: {  	s3 =	ssub.s32 $0x0, s19;
	[sflag:s21] =	ssyncset.done $0x0  }
0x9e: {  	[sflag:s21] =	ssyncadd.s32 s3;
	_ =	sdelay $0x1  }
0x9f: {  	s22 =	simm.s32 $0x1B8B  }
0xa0: {  	_ =	swait.ge [sflag:s22], $0x1  }
0xa1: {  	[sflag:s22] =	ssyncset.done $0x0  }
0xa2: {  	s23 =	simm.s32 $0x1B8E;
	[sflag:s22] =	ssyncadd.s32 $0xFFFFFFFF  }
0xa3: {  	s24 =	simm.s32 $execute0_lowered;
	[smem:$0x3FD2] =	sst s23  }
0xa4: {  	s3 =	sshll.u32 s24, $0x1;
	_ =	strace $0x80000046;
	[dreg:$0x1] =	wrdreg $0xFFFFFFFF  }
0xa5: {  	s25 =	simm.s32 $_size_execute0_lowered;
	s2 =	sadd.s32 s2, s3;
	[dreg:$0x0] =	wrdreg $0x0  }
0xa6: {  	s3 =	sshll.u32 s25, $0x1;
	[dreg:$0x2] =	wrdreg s2  }
0xa7: {  	[dreg:$0x3] =	wrdreg s3  }
0xa8: {  	[dreg:$0x4] =	wrdreg $0xC0  }
0xa9: {  	_ =	task [dreg:s6], $0x5FFFF  }
0xaa: {  	[dreg:$0x1] =	wrdreg $0xFFFFFFFF  }
0xab: {  	[dreg:$0x0] =	wrdreg $0x60  }
0xac: {  	[dreg:$0x2] =	wrdreg s0  }
0xad: {  	[dreg:$0x3] =	wrdreg s17  }
0xae: {  	[dreg:$0x4] =	wrdreg $0x9  }
0xaf: {  	_ =	task.clear_ibuf [dreg:s6], $0x5FFFF;
	_ =	strace $0x90000046  }
0xb0: {  	s26 =	simm.s32 $0x9;
	_ =	strace $0x80000048  }
0xb1: {  	_ =	swait.ge [sflag:s26], $0x1  }
0xb2: {  	[sflag:s26] =	ssyncadd.s32 $0xFFFFFFFF  }
0xb3: {  	_ =	strace $0x90000048  }
0xb4: {  	_ =	sfence  }
0xb5: {  	s28 =	sld [smem:$0x0];
	_ =	sdelay $0x1  }
0xb6: {  	s29 =	srdreg.scid  }
0xb7: {  	s30 =	sshll.u32 s29, $0xD;
	s31 =	sshrl.u32 s29, $0x2  }
0xb8: {  	s1 =	sand.u32 $0x1, s29;
	s2 =	sand.u32 $0x4000, s30;
	s0 =	sadd.s32 s31, s28  }
0xb9: {  	s1 =	sor.u32 s2, s1;
	s0 =	sshll.u32 s0, $0x11  }
0xba: {  	s0 =	sor.u32 s0, s1  }
0xbb: {  	s0 =	sadd.s32 $0x8F2B, s0  }
0xbc: {  	[sflag:s0] =	ssyncadd.remote.s32 $0x1  }
0xbd: {  	_ =	sfence.sel $0xFFFF  }
0xbe: {  	[dreg:$0x0] =	wrdreg $0xFFFFFFFF;
	(pc) =	sbr.abs _section_cstart, $3  }
0xbf: {  	[dreg:$0x1] =	wrdreg $0xFFFFFFFF  }
0xc0: {  	_ =	task.clear_ibuf [dreg:s6], $0x2FFFF;
	_ =	strace $0x9FFFFFFF  }
0xc1: {  	(tm) =	ssettm $0x7FFFFFFF  }
tec
execute0_lowered:
.L_overlay_start_1:
0x0: {  	(tag) =	ssettag $0x1  }
0x1: {  	s1 =	stileid.u32  }
0x2: {  	p0 =	sgt.u32 s1, $0x7  }
.Ltmp0:
0x3: {  	_ = 	snop;
	(pc) =	sbr.rel @p0 .LBB2_2-.Ltmp0, $4  }
0x4: {  	s4 =	rddreg [dreg:$0x0]  }
0x5: {  	s3 =	rddreg [dreg:$0x1];
	s2 =	simm.s32 $0x0  }
0x6: {  	[smem:$0x7FF] =	sst s2  }
0x7: {  	s0 =	rddreg [dreg:$0x2];
	_ =	strace $0x80000047  }
0x8: {  	s5 =	sshll.u32 s1, $0xF;
	s6 =	sshll.u32 s1, $0x8  }
0x9: {  	s5 =	sor.u32 s6, s5  }
0xa: {  	s4 =	sadd.s32 s5, s4  }
0xb: {  	s5 =	sadd.s32 $0x800, s4  }
0xc: {  	[tilespmem:s2], [sflag:$0x1] =	stream.linear.gather [hbm4b:s5+s2], $0x8, $0x38;
	[tilespmem:$0x100] =	vst v63  }
0xd: {  	s16 =	simm.s32 $0x8;
	s15 =	sadd.s32 $0x81804, s4  }
0xe: {  	[tilespmem:s16], [sflag:$0x1] =	stream.linear.gather [hbm4b:s15+s2], $0x8, $0x38;
	[tilespmem:$0x100] =	vst v63  }
0xf: {  	s18 =	simm.s32 $0x10;
	s17 =	sadd.s32 $0x102808, s4  }
0x10: {  	[tilespmem:s18], [sflag:$0x1] =	stream.linear.gather [hbm4b:s17+s2], $0x8, $0x38;
	[tilespmem:$0x100] =	vst v63  }
0x11: {  	s20 =	simm.s32 $0x18;
	s19 =	sadd.s32 $0x18380C, s4  }
0x12: {  	[tilespmem:s20], [sflag:$0x1] =	stream.linear.gather [hbm4b:s19+s2], $0x8, $0x38;
	[tilespmem:$0x100] =	vst v63  }
0x13: {  	s22 =	simm.s32 $0x20;
	s21 =	sadd.s32 $0x204880, s4  }
0x14: {  	[tilespmem:s22], [sflag:$0x1] =	stream.linear.gather [hbm4b:s21+s2], $0x8, $0x38;
	[tilespmem:$0x100] =	vst v63  }
0x15: {  	s24 =	simm.s32 $0x28;
	s23 =	sadd.s32 $0x285884, s4  }
0x16: {  	[tilespmem:s24], [sflag:$0x1] =	stream.linear.gather [hbm4b:s23+s2], $0x8, $0x38;
	[tilespmem:$0x100] =	vst v63  }
0x17: {  	s26 =	simm.s32 $0x30;
	s25 =	sadd.s32 $0x306888, s4  }
0x18: {  	[tilespmem:s26], [sflag:$0x1] =	stream.linear.gather [hbm4b:s25+s2], $0x8, $0x38;
	[tilespmem:$0x100] =	vst v63  }
0x19: {  	s28 =	simm.s32 $0x38;
	s29 =	simm.s32 $0x1;
	s4 =	sadd.s32 $0x38788C, s4  }
0x1a: {  	[tilespmem:s28], [sflag:$0x1] =	stream.linear.gather [hbm4b:s4+s2], $0x8, $0x38;
	[tilespmem:$0x100] =	vst v63  }
0x1b: {  	_ =	swait.ge [sflag:s29], $0x8  }
0x1c: {  	[sflag:s29] =	ssyncset.done $0x0  }
0x1d: {  	[sflag:s29] =	ssyncadd.s32 $0xFFFFFFF8  }
0x1e: {  	_ =	swait.ge [sflag:s29], $0x8  }
0x1f: {  	[sflag:s29] =	ssyncset.done $0x0  }
0x20: {  	[sflag:s29] =	ssyncadd.s32 $0xFFFFFFF8  }
0x21: {  	_ =	swait.ge [sflag:s29], $0x8  }
0x22: {  	[sflag:s29] =	ssyncset.done $0x0  }
0x23: {  	[sflag:s29] =	ssyncadd.s32 $0xFFFFFFF8  }
0x24: {  	_ =	swait.ge [sflag:s29], $0x8  }
0x25: {  	[sflag:s29] =	ssyncset.done $0x0  }
0x26: {  	[sflag:s29] =	ssyncadd.s32 $0xFFFFFFF8  }
0x27: {  	_ =	swait.ge [sflag:s29], $0x8  }
0x28: {  	[sflag:s29] =	ssyncset.done $0x0  }
0x29: {  	[sflag:s29] =	ssyncadd.s32 $0xFFFFFFF8  }
0x2a: {  	_ =	swait.ge [sflag:s29], $0x8  }
0x2b: {  	[sflag:s29] =	ssyncset.done $0x0  }
0x2c: {  	[sflag:s29] =	ssyncadd.s32 $0xFFFFFFF8  }
0x2d: {  	_ =	swait.ge [sflag:s29], $0x8  }
0x2e: {  	[sflag:s29] =	ssyncset.done $0x0  }
0x2f: {  	[sflag:s29] =	ssyncadd.s32 $0xFFFFFFF8  }
0x30: {  	_ =	swait.ge [sflag:s29], $0x8  }
0x31: {  	[sflag:s29] =	ssyncset.done $0x0  }
0x32: {  	[sflag:s29] =	ssyncadd.s32 $0xFFFFFFF8  }
0x33: {  	v0 =	vld [tilespmem:$0x0]  }
0x34: {  	v1 =	vld [tilespmem:$0x10];
	_ =	sdelay $0x1  }
0x35: {  	v2 =	vld [tilespmem:$0x20];
	_ =	sdelay $0x1  }
0x36: {  	vm0 =	vmmov $0x1;
	v4 =	vld [tilespmem:$0x30];
	v3 =	vbroadcast v0, $0x8  }
0x37: {  	vm9 =	vcmask $0x320;
	v0 =	vnsel vm0, $0x0, v0;
	v5 =	vbroadcast v1, $0x0  }
0x38: {  	vm10 =	vcmask $0x720;
	v1 =	vbroadcast v1, $0x8;
	v0 =	vsel vm9, v0, v3  }
0x39: {  	vm11 =	vcmask $0xB20;
	v60 =	vbroadcast v2, $0x0;
	v0 =	vsel vm10, v0, v5  }
0x3a: {  	vm12 =	vcmask $0xF20;
	v61 =	vbroadcast v2, $0x8;
	v0 =	vsel vm11, v0, v1  }
0x3b: {  	vm13 =	vcmask $0x1320;
	v62 =	vbroadcast v4, $0x0;
	v0 =	vsel vm12, v0, v60  }
0x3c: {  	vm14 =	vcmask $0x1720;
	v63 =	vbroadcast v4, $0x8;
	v0 =	vsel vm13, v0, v61  }
0x3d: {  	vm15 =	vcmask $0x1B20;
	v0 =	vsel vm14, v0, v62  }
0x3e: {  	v0 =	vsel vm15, v0, v63  }
0x3f: {  	s3 =	sadd.s32 s3, s1;
	s30 =	simm.s32 $0x80;
	s31 =	simm.s32 $0x2;
	[tilespmem:$0x80] =	vst v0  }
0x40: {  	[hbm4b:s3+s2] =	stream.linear.scatter [tilespmem:s30], [sflag:$0x2], $0x8, $0x38;
	[tilespmem:$0x100] =	vst v63  }
0x41: {  	_ =	swait.ge [sflag:s31], $0x8  }
0x42: {  	[sflag:s31] =	ssyncset.done $0x0  }
0x43: {  	[sflag:s31] =	ssyncadd.s32 $0xFFFFFFF8  }
.LBB2_2:
0x44: {  	_ =	sfence.sel $0x180000  }
0x45: {  	[bflag:$0x0] =	sbarrier.arrive $0xFFFF  }
0x46: {  	p0 =	sne.s32 s1, $0x0;
	_ =	strace $0x90000047  }
0x47: {  	s0 =	sadd.s32 @!p0 $0x100000, s0;
	[bflag:$0x2] =	sbarrier.arrive $0xFFFF  }
0x48: {  	[sflag:s0] =	ssyncadd.tile.s32 @!p0 $0x1;
	_ =	shalt  }
.Lfunc_end2:
_tile_overlayer_lowered:
.L_overlay_start_2:
0x49: {  	(tag) =	ssettag $0x2  }
0x4a: {  	s0 =	rddreg [dreg:$0x0];
	s2 =	stileid.u32  }
0x4b: {  	s1 =	rddreg [dreg:$0x1];
	p0 =	sne.s32 s2, $0x0  }
0x4c: {  	s3 =	rddreg [dreg:$0x2];
	[bflag:$0x3] =	sbarrier.arrive $0xFFFF;
	s2 =	simm.s32 @!p0 $0x1C02  }
0x4d: {  	[timem:s3], [sflag:s2] =	dma.local @!p0 [hbm:s0], s1  }
0x4e: {  	s0 =	simm.s32 @!p0 $0x2  }
0x4f: {  	_ =	swait.ge @!p0 [sflag:s0], s1  }
0x50: {  	s1 =	ssub.s32 @!p0 $0x0, s1;
	[sflag:s0] =	ssyncset.done @!p0 $0x0  }
0x51: {  	[sflag:s0] =	ssyncadd.s32 @!p0 s1  }
0x52: {  	[bflag:$0x3] =	sbarrier.arrive $0xFFFF  }
0x53: {  	_ =	shalt  }

</sc_bundles>
